<compile_context>
chip_gen: v7x
topology: tpu7x:2x2x1
jax: 0.10.2.dev20260603
libtpu: 0.0.44.dev20260713+nightly
codegen_flags: <defaults>
</compile_context>

<pallas_src>
import functools

import jax
import jax.numpy as jnp
from jax import lax
from jax.experimental import pallas as pl
from jax.experimental.pallas import tpu as pltpu
from jax.experimental.pallas import tpu_sc as plsc

N = 10000
NPAD = 10240
D_IN = 256
H_DIM = 64
C_DIM = 64
K_HOPS = 10

NC = 2
NS = 16
NW = NC * NS
CH = 128
NCH = 42
EPW = NCH * CH
E_TOT = NW * EPW
ZR = NPAD // NS

_mesh = plsc.VectorSubcoreMesh(core_axis_name="c", subcore_axis_name="s")
_sc_params = pltpu.CompilerParams(use_tc_tiling_on_sc=False)



@jax.jit
def _sc_degree(dst3, onehot):

    @functools.partial(
        pl.kernel,
        out_type=jax.ShapeDtypeStruct((NC, NPAD, 16), jnp.float32),
        mesh=_mesh,
        scratch_types=[
            pltpu.VMEM((NCH, CH), jnp.int32),
            pltpu.VMEM((CH, 16), jnp.float32),
            pltpu.VMEM((ZR, 16), jnp.float32),
            pltpu.VMEM_SHARED((NPAD, 16), jnp.float32),
        ],
        compiler_params=_sc_params,
    )
    def body(dst_hbm, oh_hbm, out_hbm, idx_v, ones_v, zero_v, acc_sh):
        c = lax.axis_index("c")
        s = lax.axis_index("s")
        w = c * NS + s
        @pl.loop(0, ZR)
        def _(i):
            zero_v[i, pl.ds(0, 16)] = jnp.zeros((16,), jnp.float32)

        pltpu.sync_copy(zero_v, acc_sh.at[pl.ds(s * ZR, ZR)])
        pltpu.sync_copy(dst_hbm.at[w], idx_v)
        pltpu.sync_copy(oh_hbm, ones_v)
        plsc.subcore_barrier()

        @pl.loop(0, NCH)
        def _(j):
            pltpu.sync_copy(ones_v, acc_sh.at[idx_v.at[j]], add=True)

        plsc.subcore_barrier()
        pltpu.sync_copy(acc_sh.at[pl.ds(s * ZR, ZR)],
                        out_hbm.at[c, pl.ds(s * ZR, ZR)])

    return body(dst3, onehot)


@jax.jit
def _sc_step(z, src3, dst3):

    @functools.partial(
        pl.kernel,
        out_type=jax.ShapeDtypeStruct((NC, NPAD, C_DIM), jnp.float32),
        mesh=_mesh,
        scratch_types=[
            pltpu.VMEM((NCH, CH), jnp.int32),
            pltpu.VMEM((NCH, CH), jnp.int32),
            pltpu.VMEM((CH, C_DIM), jnp.float32),
            pltpu.VMEM_SHARED((NPAD, C_DIM), jnp.float32),
            pltpu.SemaphoreType.DMA,
        ],
        compiler_params=_sc_params,
    )
    def body(z_hbm, src_hbm, dst_hbm, out_hbm, src_v, dst_v, rows_v, acc_sh,
             sem):
        c = lax.axis_index("c")
        s = lax.axis_index("s")
        w = c * NS + s
        init = pltpu.async_copy(z_hbm.at[pl.ds(s * ZR, ZR)],
                                acc_sh.at[pl.ds(s * ZR, ZR)], sem)
        pltpu.sync_copy(src_hbm.at[w], src_v)
        pltpu.sync_copy(dst_hbm.at[w], dst_v)
        init.wait()
        plsc.subcore_barrier()

        @pl.loop(0, NCH)
        def _(j):
            pltpu.async_copy(z_hbm.at[src_v.at[j]], rows_v, sem).wait()
            pltpu.sync_copy(rows_v, acc_sh.at[dst_v.at[j]], add=True)

        plsc.subcore_barrier()
        pltpu.sync_copy(acc_sh.at[pl.ds(s * ZR, ZR)],
                        out_hbm.at[c, pl.ds(s * ZR, ZR)])

    return body(z, src3, dst3)



def _mlp_body(x_ref, w1_ref, b1_ref, w2_ref, b2_ref, h_ref):
    a = jnp.dot(x_ref[...], w1_ref[...],
                preferred_element_type=jnp.float32,
                precision=lax.Precision.HIGHEST)
    a = jnp.maximum(a + b1_ref[...], 0.0)
    h_ref[...] = jnp.dot(a, w2_ref[...],
                         preferred_element_type=jnp.float32,
                         precision=lax.Precision.HIGHEST) + b2_ref[...]


@jax.jit
def _tc_mlp(xp, W1, b1, W2, b2):
    blk = 1024
    return pl.pallas_call(
        _mlp_body,
        grid=(NPAD // blk,),
        in_specs=[
            pl.BlockSpec((blk, D_IN), lambda i: (i, 0)),
            pl.BlockSpec((D_IN, H_DIM), lambda i: (0, 0)),
            pl.BlockSpec((1, H_DIM), lambda i: (0, 0)),
            pl.BlockSpec((H_DIM, C_DIM), lambda i: (0, 0)),
            pl.BlockSpec((1, C_DIM), lambda i: (0, 0)),
        ],
        out_specs=pl.BlockSpec((blk, C_DIM), lambda i: (i, 0)),
        out_shape=jax.ShapeDtypeStruct((NPAD, C_DIM), jnp.float32),
    )(xp, W1, b1.reshape(1, H_DIM), W2, b2.reshape(1, C_DIM))


def _prep_body(hacc_ref, h_ref, t_ref, dinv_ref, dinv2_ref, z_ref, zacc_ref):
    deg = hacc_ref[0, :, 0:1] + hacc_ref[1, :, 0:1] + 1.0
    dinv = lax.rsqrt(deg)
    z = dinv * h_ref[...]
    dinv_ref[...] = dinv
    dinv2_ref[...] = dinv * dinv
    z_ref[...] = z
    zacc_ref[...] = t_ref[0, 0] * z


@jax.jit
def _tc_prep(hacc, h, t0):
    return pl.pallas_call(
        _prep_body,
        out_shape=(
            jax.ShapeDtypeStruct((NPAD, 1), jnp.float32),
            jax.ShapeDtypeStruct((NPAD, 1), jnp.float32),
            jax.ShapeDtypeStruct((NPAD, C_DIM), jnp.float32),
            jax.ShapeDtypeStruct((NPAD, C_DIM), jnp.float32),
        ),
    )(hacc, h, t0)


def _rescale_body(acc_ref, z_ref, zacc_ref, dinv2_ref, t_ref, znew_ref,
                  zaccnew_ref):
    sz = acc_ref[0] + acc_ref[1] - z_ref[...]
    znew = dinv2_ref[...] * sz
    znew_ref[...] = znew
    zaccnew_ref[...] = zacc_ref[...] + t_ref[0, 0] * znew


@jax.jit
def _tc_rescale(acc, z, zacc, dinv2, tk):
    return pl.pallas_call(
        _rescale_body,
        out_shape=(
            jax.ShapeDtypeStruct((NPAD, C_DIM), jnp.float32),
            jax.ShapeDtypeStruct((NPAD, C_DIM), jnp.float32),
        ),
    )(acc, z, zacc, dinv2, tk)


def _final_body(zacc_ref, dinv_ref, out_ref):
    hid = zacc_ref[...] / dinv_ref[...]
    m = jnp.max(hid, axis=1, keepdims=True)
    e = jnp.exp(hid - m)
    lse = jnp.log(jnp.sum(e, axis=1, keepdims=True))
    out_ref[...] = hid - m - lse


@jax.jit
def _tc_final(zacc, dinv):
    return pl.pallas_call(
        _final_body,
        out_shape=jax.ShapeDtypeStruct((NPAD, C_DIM), jnp.float32),
    )(zacc, dinv)



def kernel(x, edge_index, W1, b1, W2, b2, temp):
    E = edge_index.shape[1]
    pad = E_TOT - E
    pad_idx = N + (jnp.arange(pad, dtype=jnp.int32) % (NPAD - N))
    src3 = jnp.concatenate([edge_index[0], pad_idx]).reshape(NW, NCH, CH)
    dst3 = jnp.concatenate([edge_index[1], pad_idx]).reshape(NW, NCH, CH)
    onehot = jnp.zeros((CH, 16), jnp.float32).at[:, 0].set(1.0)
    xp = jnp.pad(x, ((0, NPAD - N), (0, 0)))

    hacc = _sc_degree(dst3, onehot)
    h = _tc_mlp(xp, W1, b1, W2, b2)
    tc = temp.reshape(1, K_HOPS + 1)
    dinv, dinv2, z, zacc = _tc_prep(hacc, h, tc[:, 0:1])
    for k in range(K_HOPS):
        acc = _sc_step(z, src3, dst3)
        z, zacc = _tc_rescale(acc, z, zacc, dinv2, tc[:, k + 1:k + 2])
    out = _tc_final(zacc, dinv)
    return out[:N]

# --- scband reference (transcript-rebuilt; emitter-appended) ---
"""Pipeline reference for scband-gpr-76467597738493 (READ-ONLY COPY).

The authoritative reference and input builder live on the scoring server;
editing this copy changes nothing except your own understanding.
"""

import jax, jax.numpy as jnp
import numpy as np

N = 10000
E = 160000
D = 256
H = 64
C = 64
K = 10
ALPHA = 0.1


def setup_inputs(seed: int = 0):
    key = jax.random.key(seed)
    ks = jax.random.split(key, 5)
    x = jax.random.normal(ks[0], (N, D), dtype=jnp.float32)
    edge_index = jax.random.randint(ks[1], (2, E), 0, N, dtype=jnp.int32)
    W1 = jax.random.normal(ks[2], (D, H), dtype=jnp.float32) * (1.0 / np.sqrt(D))
    b1 = jnp.zeros((H,), dtype=jnp.float32)
    W2 = jax.random.normal(ks[3], (H, C), dtype=jnp.float32) * (1.0 / np.sqrt(H))
    b2 = jnp.zeros((C,), dtype=jnp.float32)
    # GPR_prop PPR init: gamma_k = alpha*(1-alpha)^k for k<K, gamma_K = (1-alpha)^K
    temp = jnp.array([ALPHA * (1.0 - ALPHA) ** k for k in range(K)] + [(1.0 - ALPHA) ** K], dtype=jnp.float32)
    return {"x": x, "edge_index": edge_index, "W1": W1, "b1": b1, "W2": W2, "b2": b2, "temp": temp}


def _gcn_norm(edge_index, num_nodes):
    src = edge_index[0]
    dst = edge_index[1]
    loop = jnp.arange(num_nodes, dtype=src.dtype)
    src = jnp.concatenate([src, loop])
    dst = jnp.concatenate([dst, loop])
    w = jnp.ones(src.shape[0], dtype=jnp.float32)
    deg = jnp.zeros(num_nodes, dtype=jnp.float32).at[dst].add(w)
    dinv = jnp.where(deg > 0, deg ** -0.5, 0.0)
    norm = dinv[src] * w * dinv[dst]
    return src, dst, norm


def reference(x, edge_index, W1, b1, W2, b2, temp):
    # dropout is a no-op in eval mode
    h = jax.nn.relu(x @ W1 + b1)
    h = h @ W2 + b2
    src, dst, norm = _gcn_norm(edge_index, x.shape[0])
    hidden = h * temp[0]
    cur = h
    for k in range(K):
        msg = norm[:, None] * cur[src]
        cur = jnp.zeros_like(cur).at[dst].add(msg)
        hidden = hidden + temp[k + 1] * cur
    return jax.nn.log_softmax(hidden, axis=1)

if __name__ == "__main__":
    import jax
    _d = setup_inputs()
    print(jax.jit(kernel)(*tuple(_d.values())))

</pallas_src>

<mosaic_0001>
#map = affine_map<(d0, d1) -> (0, 0, 0)>
#map1 = affine_map<(d0, d1) -> (0, 0)>
module attributes {stable_mosaic.version = 14 : i64} {
  func.func @body(%arg0: i32, %arg1: i32, %arg2: memref<32x42x128xi32, #tpu.memory_space<hbm>>, %arg3: memref<128x16xf32, #tpu.memory_space<hbm>>, %arg4: memref<2x10240x16xf32, #tpu.memory_space<hbm>>, %arg5: memref<42x128xi32, #tpu.memory_space<vmem>>, %arg6: memref<128x16xf32, #tpu.memory_space<vmem>>, %arg7: memref<640x16xf32, #tpu.memory_space<vmem>>, %arg8: memref<10240x16xf32, #tpu.memory_space<vmem_shared>>) attributes {dimension_semantics = [#tpu.dimension_semantics<core_parallel>, #tpu.dimension_semantics<subcore_parallel>], iteration_bounds = array<i64: 2, 16>, scalar_prefetch = 0 : i64, scratch_operands = 4 : i64, tpu.core_type = #tpu.core_type<sc_vector_subcore>, window_params = [{transform_indices = #map}, {transform_indices = #map1}, {transform_indices = #map}]} {
    %mul3A = arith.constant 16 : i32
    %mul3A_0 = arith.muli %arg0, %mul3A : i32
    %add3A = arith.addi %mul3A_0, %arg1 : i32
    %scan3A = arith.constant 0 : i32
    %scan3A_1 = arith.constant 640 : i32
    %scan3A_2 = arith.addi %scan3A, %scan3A_1 : i32
    %scan3A_3 = arith.constant 1 : i32
    scf.for %scan3A_17 = %scan3A to %scan3A_2 step %scan3A_3  : i32 {
      %mul3A_18 = arith.constant 1 : i32
      %mul3A_19 = arith.muli %scan3A_17, %mul3A_18 : i32
      %add3A_20 = arith.constant 0 : i32
      %add3A_21 = arith.addi %add3A_20, %mul3A_19 : i32
      %broadcast_in_dim3A = arith.constant 0.000000e+00 : f32
      %broadcast_in_dim3A_22 = vector.broadcast %broadcast_in_dim3A : f32 to vector<16xf32>
      %swap3A = arith.index_cast %add3A_21 : i32 to index
      %swap3A_23 = arith.constant 0 : index
      %swap3A_24 = tpu.vector_load %arg7[%swap3A, %swap3A_23] {strides = array<i32>} : memref<640x16xf32, #tpu.memory_space<vmem>>, vector<1x16xf32>,
      %swap3A_25 = vector.shape_cast %swap3A_24 : vector<1x16xf32> to vector<16xf32>
      %swap3A_26 = vector.shape_cast %broadcast_in_dim3A_22 : vector<16xf32> to vector<1x16xf32>
      tpu.vector_store %arg7[%swap3A, %swap3A_23], %swap3A_26 {strides = array<i32>} : memref<640x16xf32, #tpu.memory_space<vmem>>, vector<1x16xf32>,
    }
    %scan3A_4 = arith.constant 640 : i32
    %mul3A_5 = arith.constant 640 : i32
    %mul3A_6 = arith.muli %arg1, %mul3A_5 : i32
    "tpu.region"() ({
      %run_scoped3A = tpu.sem_alloc : memref<!tpu.dma_semaphore, #tpu.memory_space<semaphore_mem>>
      %dma_start3A = arith.constant 0 : i32
      %dma_start3A_17 = tpu.memref_slice %arg8[%mul3A_6, %dma_start3A] : memref<10240x16xf32, #tpu.memory_space<vmem_shared>> -> memref<640x16xf32, #tpu.memory_space<vmem_shared>>
      %dma_start3A_18 = arith.constant 0 : i32
      %dma_start3A_19 = tpu.memref_slice %arg8[%mul3A_6, %dma_start3A_18] : memref<10240x16xf32, #tpu.memory_space<vmem_shared>> -> memref<640x16xf32, #tpu.memory_space<vmem_shared>>
      tpu.enqueue_dma source(%arg7 : memref<640x16xf32, #tpu.memory_space<vmem>>) target(%dma_start3A_19 : memref<640x16xf32, #tpu.memory_space<vmem_shared>>) target_semaphore(%run_scoped3A : memref<!tpu.dma_semaphore, #tpu.memory_space<semaphore_mem>>)
      %dma_wait3A = arith.constant 0 : i32
      %dma_wait3A_20 = tpu.memref_slice %arg8[%mul3A_6, %dma_wait3A] : memref<10240x16xf32, #tpu.memory_space<vmem_shared>> -> memref<640x16xf32, #tpu.memory_space<vmem_shared>>
      %dma_wait3A_21 = arith.constant 0 : i32
      %dma_wait3A_22 = tpu.memref_slice %arg8[%mul3A_6, %dma_wait3A_21] : memref<10240x16xf32, #tpu.memory_space<vmem_shared>> -> memref<640x16xf32, #tpu.memory_space<vmem_shared>>
      tpu.wait_dma2 semaphore(%run_scoped3A : memref<!tpu.dma_semaphore, #tpu.memory_space<semaphore_mem>>) src(%arg7 : memref<640x16xf32, #tpu.memory_space<vmem>>) dst(%dma_wait3A_22 : memref<640x16xf32, #tpu.memory_space<vmem_shared>>)
      tpu.yield
    }) : () -> ()
    "tpu.region"() ({
      %run_scoped3A = tpu.sem_alloc : memref<!tpu.dma_semaphore, #tpu.memory_space<semaphore_mem>>
      %dma_start3A = arith.constant 0 : i32
      %dma_start3A_17 = arith.constant 0 : i32
      %dma_start3A_18 = tpu.memref_slice %arg2[%add3A, %dma_start3A, %dma_start3A_17] : memref<32x42x128xi32, #tpu.memory_space<hbm>> -> memref<1x42x128xi32, #tpu.memory_space<hbm>>
      %dma_start3A_19 = tpu.memref_squeeze %dma_start3A_18 : memref<1x42x128xi32, #tpu.memory_space<hbm>> -> memref<42x128xi32, #tpu.memory_space<hbm>>
      %dma_start3A_20 = arith.constant 0 : i32
      %dma_start3A_21 = arith.constant 0 : i32
      %dma_start3A_22 = tpu.memref_slice %arg2[%add3A, %dma_start3A_20, %dma_start3A_21] : memref<32x42x128xi32, #tpu.memory_space<hbm>> -> memref<1x42x128xi32, #tpu.memory_space<hbm>>
      %dma_start3A_23 = tpu.memref_squeeze %dma_start3A_22 : memref<1x42x128xi32, #tpu.memory_space<hbm>> -> memref<42x128xi32, #tpu.memory_space<hbm>>
      tpu.enqueue_dma source(%dma_start3A_23 : memref<42x128xi32, #tpu.memory_space<hbm>>) target(%arg5 : memref<42x128xi32, #tpu.memory_space<vmem>>) target_semaphore(%run_scoped3A : memref<!tpu.dma_semaphore, #tpu.memory_space<semaphore_mem>>)
      %dma_wait3A = arith.constant 0 : i32
      %dma_wait3A_24 = arith.constant 0 : i32
      %dma_wait3A_25 = tpu.memref_slice %arg2[%add3A, %dma_wait3A, %dma_wait3A_24] : memref<32x42x128xi32, #tpu.memory_space<hbm>> -> memref<1x42x128xi32, #tpu.memory_space<hbm>>
      %dma_wait3A_26 = tpu.memref_squeeze %dma_wait3A_25 : memref<1x42x128xi32, #tpu.memory_space<hbm>> -> memref<42x128xi32, #tpu.memory_space<hbm>>
      %dma_wait3A_27 = arith.constant 0 : i32
      %dma_wait3A_28 = arith.constant 0 : i32
      %dma_wait3A_29 = tpu.memref_slice %arg2[%add3A, %dma_wait3A_27, %dma_wait3A_28] : memref<32x42x128xi32, #tpu.memory_space<hbm>> -> memref<1x42x128xi32, #tpu.memory_space<hbm>>
      %dma_wait3A_30 = tpu.memref_squeeze %dma_wait3A_29 : memref<1x42x128xi32, #tpu.memory_space<hbm>> -> memref<42x128xi32, #tpu.memory_space<hbm>>
      tpu.wait_dma2 semaphore(%run_scoped3A : memref<!tpu.dma_semaphore, #tpu.memory_space<semaphore_mem>>) src(%dma_wait3A_30 : memref<42x128xi32, #tpu.memory_space<hbm>>) dst(%arg5 : memref<42x128xi32, #tpu.memory_space<vmem>>)
      tpu.yield
    }) : () -> ()
    "tpu.region"() ({
      %run_scoped3A = tpu.sem_alloc : memref<!tpu.dma_semaphore, #tpu.memory_space<semaphore_mem>>
      tpu.enqueue_dma source(%arg3 : memref<128x16xf32, #tpu.memory_space<hbm>>) target(%arg6 : memref<128x16xf32, #tpu.memory_space<vmem>>) target_semaphore(%run_scoped3A : memref<!tpu.dma_semaphore, #tpu.memory_space<semaphore_mem>>)
      tpu.wait_dma2 semaphore(%run_scoped3A : memref<!tpu.dma_semaphore, #tpu.memory_space<semaphore_mem>>) src(%arg3 : memref<128x16xf32, #tpu.memory_space<hbm>>) dst(%arg6 : memref<128x16xf32, #tpu.memory_space<vmem>>)
      tpu.yield
    }) : () -> ()
    %barrier3A = arith.constant 0 : index
    tpu.barrier barrier_id(%barrier3A)
    %scan3A_7 = arith.constant 0 : i32
    %scan3A_8 = arith.constant 42 : i32
    %scan3A_9 = arith.addi %scan3A_7, %scan3A_8 : i32
    %scan3A_10 = arith.constant 1 : i32
    scf.for %scan3A_17 = %scan3A_7 to %scan3A_9 step %scan3A_10  : i32 {
      %mul3A_18 = arith.constant 1 : i32
      %mul3A_19 = arith.muli %scan3A_17, %mul3A_18 : i32
      %add3A_20 = arith.constant 0 : i32
      %add3A_21 = arith.addi %add3A_20, %mul3A_19 : i32
      "tpu.region"() ({
        %run_scoped3A = tpu.sem_alloc : memref<!tpu.dma_semaphore, #tpu.memory_space<semaphore_mem>>
        %dma_start3A = arith.constant 0 : i32
        %dma_start3A_22 = tpu.memref_slice %arg5[%add3A_21, %dma_start3A] : memref<42x128xi32, #tpu.memory_space<vmem>> -> memref<1x128xi32, #tpu.memory_space<vmem>>
        %dma_start3A_23 = tpu.memref_squeeze %dma_start3A_22 : memref<1x128xi32, #tpu.memory_space<vmem>> -> memref<128xi32, #tpu.memory_space<vmem>>
        %dma_start3A_24 = arith.constant 0 : i32
        %dma_start3A_25 = arith.constant 0 : i32
        %dma_start3A_26 = tpu.memref_slice %arg8[%dma_start3A_24, %dma_start3A_25] : memref<10240x16xf32, #tpu.memory_space<vmem_shared>> -> memref<10240x16xf32, #tpu.memory_space<vmem_shared>>
        tpu.enqueue_indirect_dma source(%arg6 : memref<128x16xf32, #tpu.memory_space<vmem>>) target(%dma_start3A_26 : memref<10240x16xf32, #tpu.memory_space<vmem_shared>>) offsets(%dma_start3A_23 : memref<128xi32, #tpu.memory_space<vmem>>) semaphore(%run_scoped3A : memref<!tpu.dma_semaphore, #tpu.memory_space<semaphore_mem>>) {add = true}
        %dma_wait3A = arith.constant 0 : i32
        %dma_wait3A_27 = tpu.memref_slice %arg5[%add3A_21, %dma_wait3A] : memref<42x128xi32, #tpu.memory_space<vmem>> -> memref<1x128xi32, #tpu.memory_space<vmem>>
        %dma_wait3A_28 = tpu.memref_squeeze %dma_wait3A_27 : memref<1x128xi32, #tpu.memory_space<vmem>> -> memref<128xi32, #tpu.memory_space<vmem>>
        %dma_wait3A_29 = arith.constant 0 : i32
        %dma_wait3A_30 = arith.constant 0 : i32
        %dma_wait3A_31 = tpu.memref_slice %arg8[%dma_wait3A_29, %dma_wait3A_30] : memref<10240x16xf32, #tpu.memory_space<vmem_shared>> -> memref<10240x16xf32, #tpu.memory_space<vmem_shared>>
        tpu.wait_indirect_dma semaphore(%run_scoped3A : memref<!tpu.dma_semaphore, #tpu.memory_space<semaphore_mem>>) src(%arg6 : memref<128x16xf32, #tpu.memory_space<vmem>>) dst(%dma_wait3A_31 : memref<10240x16xf32, #tpu.memory_space<vmem_shared>>)
        tpu.yield
      }) : () -> ()
    }
    %scan3A_11 = arith.constant 42 : i32
    %barrier3A_12 = arith.constant 0 : index
    tpu.barrier barrier_id(%barrier3A_12)
    %mul3A_13 = arith.constant 640 : i32
    %mul3A_14 = arith.muli %arg1, %mul3A_13 : i32
    %mul3A_15 = arith.constant 640 : i32
    %mul3A_16 = arith.muli %arg1, %mul3A_15 : i32
    "tpu.region"() ({
      %run_scoped3A = tpu.sem_alloc : memref<!tpu.dma_semaphore, #tpu.memory_space<semaphore_mem>>
      %dma_start3A = arith.constant 0 : i32
      %dma_start3A_17 = tpu.memref_slice %arg4[%arg0, %mul3A_16, %dma_start3A] : memref<2x10240x16xf32, #tpu.memory_space<hbm>> -> memref<1x640x16xf32, #tpu.memory_space<hbm>>
      %dma_start3A_18 = tpu.memref_squeeze %dma_start3A_17 : memref<1x640x16xf32, #tpu.memory_space<hbm>> -> memref<640x16xf32, #tpu.memory_space<hbm>>
      %dma_start3A_19 = arith.constant 0 : i32
      %dma_start3A_20 = tpu.memref_slice %arg8[%mul3A_14, %dma_start3A_19] : memref<10240x16xf32, #tpu.memory_space<vmem_shared>> -> memref<640x16xf32, #tpu.memory_space<vmem_shared>>
      tpu.enqueue_dma source(%dma_start3A_20 : memref<640x16xf32, #tpu.memory_space<vmem_shared>>) target(%dma_start3A_18 : memref<640x16xf32, #tpu.memory_space<hbm>>) target_semaphore(%run_scoped3A : memref<!tpu.dma_semaphore, #tpu.memory_space<semaphore_mem>>)
      %dma_wait3A = arith.constant 0 : i32
      %dma_wait3A_21 = tpu.memref_slice %arg4[%arg0, %mul3A_16, %dma_wait3A] : memref<2x10240x16xf32, #tpu.memory_space<hbm>> -> memref<1x640x16xf32, #tpu.memory_space<hbm>>
      %dma_wait3A_22 = tpu.memref_squeeze %dma_wait3A_21 : memref<1x640x16xf32, #tpu.memory_space<hbm>> -> memref<640x16xf32, #tpu.memory_space<hbm>>
      %dma_wait3A_23 = arith.constant 0 : i32
      %dma_wait3A_24 = tpu.memref_slice %arg8[%mul3A_14, %dma_wait3A_23] : memref<10240x16xf32, #tpu.memory_space<vmem_shared>> -> memref<640x16xf32, #tpu.memory_space<vmem_shared>>
      tpu.wait_dma2 semaphore(%run_scoped3A : memref<!tpu.dma_semaphore, #tpu.memory_space<semaphore_mem>>) src(%dma_wait3A_24 : memref<640x16xf32, #tpu.memory_space<vmem_shared>>) dst(%dma_wait3A_22 : memref<640x16xf32, #tpu.memory_space<hbm>>)
      tpu.yield
    }) : () -> ()
    return
  }
}

</mosaic_0001>

<sc_bundles>
// kernel: _sc_degree.3.cloned.1.call-start
scs
__scs_entry_jumppad:
0x0: {  	(pc) =	sbr.rel $0x88, $3  }
0x1: {  	(tag) =	ssettag $0x0;
	lr =	simm.s32 $0x1  }
0x2: {  	[smem:$0x3F9F] =	sst lr;
	_ =	strace $0xD0000000  }
0x3: {  	_ = 	snop  }
0x4: {  	_ = 	snop  }
0x5: {  	_ = 	snop  }
0x6: {  	_ = 	snop  }
0x7: {  	_ = 	snop  }
__scs_overlays_trampoline_lowered:
0x8: {  	[smem:$0x3FAE] =	sst s0  }
0x9: {  	[smem:$0x3FAF] =	sst s1  }
0xa: {  	[smem:$0x3FB0] =	sst s2  }
0xb: {  	[smem:$0x3FB1] =	sst s3  }
0xc: {  	[smem:$0x3FB2] =	sst s4  }
0xd: {  	[smem:$0x3FB3] =	sst s5  }
0xe: {  	[smem:$0x3FB4] =	sst s6  }
0xf: {  	[smem:$0x3FB5] =	sst s7  }
0x10: {  	[smem:$0x3FB6] =	sst s8  }
0x11: {  	[smem:$0x3FB7] =	sst s9;
	s0 =	simm.s32 @!p0 $0x0  }
0x12: {  	s1 =	sld [smem:$0x3F9D];
	s0 =	simm.s32 @p0 $0x1  }
0x13: {  	[smem:$0x3FB8] =	sst s0;
	s0 =	simm.s32 @!p1 $0x0  }
0x14: {  	s2 =	sld [smem:$0x3F9C];
	s0 =	simm.s32 @p1 $0x1  }
0x15: {  	[smem:$0x3FB9] =	sst s0;
	s0 =	simm.s32 @!p2 $0x0  }
0x16: {  	s3 =	sld [smem:$0x3FDB];
	s0 =	simm.s32 @p2 $0x1  }
0x17: {  	s4 =	simm.s32 $0x1BF5;
	[smem:$0x3FBB] =	sst s0  }
0x18: {  	s0 =	sld [smem:$0x3F9E];
	_ =	swait.ge [sflag:s4], $0x0  }
0x19: {  	s7 =	sld [smem:$0x3F9F]  }
0x1a: {  	s8 =	sadd.s32 $0xFFFFE003, lr  }
0x1b: {  	s9 =	sadd.s32 $0xFFFFFEF7, lr;
	s5 =	simm.s32 $0xFFFFFFFF;
	p2 =	slt.u32 s8, $0xFFFFF086  }
0x1c: {  	p1 =	slt.u32 s9, $0xF7A;
	s5 =	simm.s32 @!p2 $0x0  }
0x1d: {  	s5 =	simm.s32 @p1 $0x1;
	p0 =	seq.s32 s7, s2  }
0x1e: {  	s7 =	smul.u32 @!p0 $0xF7A, s2;
	p2 =	seq.s32 @!p0 s5, $0x0  }
0x1f: {  	s9 =	smul.u32 $0xF7A, s1;
	s8 =	simm.s32 @!p0 $0x1BF5;
	p2 =	por !p2, p0  }
0x20: {  	[sflag:s8] =	ssyncset.s32 @!p0 $0xFFFFF086;
	s6 =	sadd.s32 @!p0 s3, s7;
	s7 =	simm.s32 @!p0 $0x108  }
0x21: {  	s3 =	sadd.s32 s3, s9;
	s6 =	sadd.s32 @!p0 $0x88, s6;
	s7 =	simm.s32 @p2 $0x1082  }
0x22: {  	[simem:s7], [sflag:s8] =	dma.local @!p0 [hbm:s6], $0xF7A  }
0x23: {  	s9 =	sor.u32 $0xD0000000, s2;
	s6 =	simm.s32 $0x108;
	_ =	swait.ge @!p0 [sflag:s8], $0x0  }
0x24: {  	s3 =	sadd.s32 $0x88, s3;
	s6 =	simm.s32 @!p1 $0x1082;
	[sflag:s4] =	ssyncset.s32 $0xFFFFF086  }
0x25: {  	[simem:s6], [sflag:s4] =	dma.local [hbm:s3], $0xF7A  }
0x26: {  	[smem:$0x3F9F] =	sst s1;
	(tag) =	ssettag s2;
	_ =	strace s9  }
0x27: {  	s1 =	sld [smem:$0x3FAF]  }
0x28: {  	s2 =	sld [smem:$0x3FB0]  }
0x29: {  	s4 =	sld [smem:$0x3FB2]  }
0x2a: {  	p0 =	seq.s32 s5, $0x0;
	s5 =	sld [smem:$0x3FB3]  }
0x2b: {  	s6 =	sld [smem:$0x3FB4]  }
0x2c: {  	s7 =	sld [smem:$0x3FB5]  }
0x2d: {  	s3 =	simm.s32 $0x108;
	s8 =	sld [smem:$0x3FB6]  }
0x2e: {  	s3 =	simm.s32 @!p0 $0x1082;
	s9 =	sld [smem:$0x3FB7]  }
0x2f: {  	lr =	sadd.s32 s0, s3;
	s0 =	sld [smem:$0x3FAE]  }
0x30: {  	s3 =	sld [smem:$0x3FB1]  }
0x31: {  	[smem:$0x3FBA] =	sst s10  }
0x32: {  	s10 =	sld [smem:$0x3FB8];
	_ =	sdelay $0x3  }
0x33: {  	p0 =	seq.s32 s10, $0x1;
	s10 =	sld [smem:$0x3FBA];
	_ =	sdelay $0x3  }
0x34: {  	[smem:$0x3FBA] =	sst s10  }
0x35: {  	s10 =	sld [smem:$0x3FB9];
	_ =	sdelay $0x3  }
0x36: {  	p1 =	seq.s32 s10, $0x1;
	s10 =	sld [smem:$0x3FBA];
	_ =	sdelay $0x3  }
0x37: {  	[smem:$0x3FBA] =	sst s10  }
0x38: {  	s10 =	sld [smem:$0x3FBB]  }
0x39: {  	_ = 	snop;
	(pc) =	sbr.ind lr, $3  }
0x3a: {  	_ = 	snop  }
0x3b: {  	_ = 	snop  }
0x3c: {  	p2 =	seq.s32 s10, $0x1;
	s10 =	sld [smem:$0x3FBA]  }
0x3d: {  	_ =	shalt  }
0x3e: {  	_ =	shalt  }
0x3f: {  	_ =	shalt  }
0x40: {  	_ =	shalt  }
0x41: {  	_ =	shalt  }
0x42: {  	_ =	shalt  }
0x43: {  	_ =	shalt  }
0x44: {  	_ =	shalt  }
0x45: {  	_ =	shalt  }
0x46: {  	_ =	shalt  }
0x47: {  	_ =	shalt  }
0x48: {  	_ =	shalt  }
0x49: {  	_ =	shalt  }
0x4a: {  	_ =	shalt  }
0x4b: {  	_ =	shalt  }
0x4c: {  	_ =	shalt  }
0x4d: {  	_ =	shalt  }
0x4e: {  	_ =	shalt  }
0x4f: {  	_ =	shalt  }
0x50: {  	_ =	shalt  }
0x51: {  	_ =	shalt  }
0x52: {  	_ =	shalt  }
0x53: {  	_ =	shalt  }
0x54: {  	_ =	shalt  }
0x55: {  	_ =	shalt  }
0x56: {  	_ =	shalt  }
0x57: {  	_ =	shalt  }
0x58: {  	_ =	shalt  }
0x59: {  	_ =	shalt  }
0x5a: {  	_ =	shalt  }
0x5b: {  	_ =	shalt  }
0x5c: {  	_ =	shalt  }
0x5d: {  	_ =	shalt  }
0x5e: {  	_ =	shalt  }
0x5f: {  	_ =	shalt  }
0x60: {  	_ =	shalt  }
0x61: {  	_ =	shalt  }
0x62: {  	_ =	shalt  }
0x63: {  	_ =	shalt  }
0x64: {  	_ =	shalt  }
0x65: {  	_ =	shalt  }
0x66: {  	_ =	shalt  }
0x67: {  	_ =	shalt  }
0x68: {  	_ =	shalt  }
0x69: {  	_ =	shalt  }
0x6a: {  	_ =	shalt  }
0x6b: {  	_ =	shalt  }
0x6c: {  	_ =	shalt  }
0x6d: {  	_ =	shalt  }
0x6e: {  	_ =	shalt  }
0x6f: {  	_ =	shalt  }
0x70: {  	_ =	shalt  }
0x71: {  	_ =	shalt  }
0x72: {  	_ =	shalt  }
0x73: {  	_ =	shalt  }
0x74: {  	_ =	shalt  }
0x75: {  	_ =	shalt  }
0x76: {  	_ =	shalt  }
0x77: {  	_ =	shalt  }
0x78: {  	_ =	shalt  }
0x79: {  	_ =	shalt  }
0x7a: {  	_ =	shalt  }
0x7b: {  	_ =	shalt  }
0x7c: {  	_ =	shalt  }
0x7d: {  	_ =	shalt  }
0x7e: {  	_ =	shalt  }
0x7f: {  	_ =	shalt  }
0x80: {  	_ =	shalt  }
0x81: {  	_ =	shalt  }
0x82: {  	_ =	shalt  }
0x83: {  	_ =	shalt  }
0x84: {  	_ =	shalt  }
0x85: {  	_ =	shalt  }
0x86: {  	_ =	shalt  }
0x87: {  	_ =	shalt  }
.Lfunc_end0:
.L_simem_size_0:
called_computation_lowered:
.L_overlay_start_0:
0x88: {  	s2 =	sld [smem:$0x3FD9]  }
0x89: {  	s3 =	sld [smem:$0x3FFE];
	_ =	sdelay $0x1  }
0x8a: {  	s1 =	srdreg.scid  }
0x8b: {  	s0 =	sand.u32 $0x1, s1  }
0x8c: {  	s17 =	sshll.u32 s0, $0xA;
	s2 =	sadd.s32 s3, s2  }
0x8d: {  	s2 =	sadd.s32 s2, s17  }
0x8e: {  	[smem:$0x3FC6] =	sst s2  }
0x8f: {  	_ = 	snop  }
0x90: {  	s2 =	sld [smem:$0x3FD0];
	(tm) =	ssettm $0x1  }
0x91: {  	s18 =	sld [smem:$0x3FFB];
	_ =	sdelay $0x3  }
0x92: {  	_ =	strace s18  }
0x93: {  	s3 =	sld [smem:$0x3FFC];
	_ =	sdelay $0x3  }
0x94: {  	_ =	strace s3  }
0x95: {  	s3 =	sld [smem:$0x3FFD];
	_ =	sdelay $0x3  }
0x96: {  	_ =	strace s3  }
0x97: {  	_ =	strace $0x8FFFFFFF  }
0x98: {  	s19 =	sld [smem:$0x3FDB];
	_ =	sdelay $0x1  }
0x99: {  	s4 =	simm.s32 $_scs_section_size  }
0x9a: {  	s5 =	simm.s32 $_size__tile_overlayer_lowered;
	s6 =	simm.s32 $_tile_overlayer_lowered  }
0x9b: {  	s22 =	simm.s32 $0x1BFF;
	s21 =	sshll.u32 s6, $0x1;
	s3 =	sadd.s32 s4, s19  }
0x9c: {  	s7 =	simm.s32 $0x0;
	s20 =	sshll.u32 s5, $0x1;
	s5 =	sadd.s32 s21, s3  }
0x9d: {  	[timem:s7], [sflag:s22] =	dma.local [hbm:s5], s20  }
0x9e: {  	_ =	swait.ge [sflag:s22], s20  }
0x9f: {  	s4 =	ssub.s32 $0x0, s20;
	[sflag:s22] =	ssyncset.done $0x0  }
0xa0: {  	[sflag:s22] =	ssyncadd.s32 s4;
	_ =	sdelay $0x1  }
0xa1: {  	s23 =	simm.s32 $0x1B8B  }
0xa2: {  	_ =	swait.ge [sflag:s23], $0x1  }
0xa3: {  	[sflag:s23] =	ssyncset.done $0x0  }
0xa4: {  	s25 =	simm.s32 $0x1B8E;
	s24 =	sld [smem:$0x3FFE];
	[sflag:s23] =	ssyncadd.s32 $0xFFFFFFFF  }
0xa5: {  	s26 =	simm.s32 $execute0_lowered;
	[smem:$0x3FD2] =	sst s25  }
0xa6: {  	s5 =	sshll.u32 s26, $0x1;
	_ =	strace $0x80000046;
	[dreg:$0x1] =	wrdreg $0xFFFFFFFF  }
0xa7: {  	s28 =	simm.s32 $_size_execute0_lowered;
	s3 =	sadd.s32 s3, s5;
	[dreg:$0x0] =	wrdreg $0x0  }
0xa8: {  	s5 =	sshll.u32 s28, $0x1;
	[dreg:$0x2] =	wrdreg s3  }
0xa9: {  	[dreg:$0x3] =	wrdreg s5  }
0xaa: {  	[dreg:$0x4] =	wrdreg $0xC0  }
0xab: {  	_ =	task [dreg:s7], $0x5FFFF  }
0xac: {  	[dreg:$0x1] =	wrdreg $0xFFFFFFFF  }
0xad: {  	[dreg:$0x0] =	wrdreg $0x60  }
0xae: {  	[dreg:$0x2] =	wrdreg s24  }
0xaf: {  	[dreg:$0x3] =	wrdreg s2  }
0xb0: {  	[dreg:$0x4] =	wrdreg $0x45000  }
0xb1: {  	[dreg:$0x5] =	wrdreg $0x9  }
0xb2: {  	_ =	task.clear_ibuf [dreg:s7], $0x6FFFF;
	_ =	strace $0x90000046  }
0xb3: {  	s29 =	simm.s32 $0x9;
	_ =	strace $0x80000048  }
0xb4: {  	_ =	swait.ge [sflag:s29], $0x1  }
0xb5: {  	[sflag:s29] =	ssyncadd.s32 $0xFFFFFFFF  }
0xb6: {  	_ =	strace $0x90000048  }
0xb7: {  	_ =	sfence  }
0xb8: {  	s30 =	sld [smem:$0x0];
	_ =	sdelay $0x2  }
0xb9: {  	s31 =	sshll.u32 s1, $0xD;
	s1 =	sshrl.u32 s1, $0x2  }
0xba: {  	s3 =	sand.u32 $0x4000, s31;
	s1 =	sadd.s32 s1, s30  }
0xbb: {  	s0 =	sor.u32 s3, s0;
	s1 =	sshll.u32 s1, $0x11  }
0xbc: {  	s0 =	sor.u32 s1, s0  }
0xbd: {  	s0 =	sadd.s32 $0x8F2B, s0  }
0xbe: {  	[sflag:s0] =	ssyncadd.remote.s32 $0x1  }
0xbf: {  	_ =	sfence.sel $0xFFFF  }
0xc0: {  	[dreg:$0x0] =	wrdreg $0xFFFFFFFF;
	(pc) =	sbr.abs _section_cstart, $3  }
0xc1: {  	[dreg:$0x1] =	wrdreg $0xFFFFFFFF  }
0xc2: {  	_ =	task.clear_ibuf [dreg:s7], $0x2FFFF;
	_ =	strace $0x9FFFFFFF  }
0xc3: {  	(tm) =	ssettm $0x7FFFFFFF  }
tec
execute0_lowered:
.L_overlay_start_1:
0x0: {  	(tag) =	ssettag $0x1  }
0x1: {  	s5 =	rddreg [dreg:$0x0]  }
0x2: {  	s0 =	srdreg.scid;
	s7 =	rddreg [dreg:$0x1]  }
0x3: {  	s2 =	rddreg [dreg:$0x2];
	s3 =	simm.s32 $0x0;
	s12 =	simm.s32 $0x80  }
0x4: {  	s4 =	sand.u32 $0x1, s0;
	s0 =	stileid.u32;
	[smem:$0x7FF] =	sst s3  }
0x5: {  	s1 =	sshll.u32 s4, $0x4;
	s8 =	smul.u32 $0x2800, s0;
	s9 =	ssub.s32 $0x2, s4  }
0x6: {  	s10 =	smul.u32 $0x28000, s4;
	s4 =	sadd.s32 $0x400, s5;
	s13 =	sshll.u32 s0, $0x6  }
0x7: {  	s1 =	sor.u32 s0, s1;
	s11 =	sshrl.u32 s9, $0x1;
	s13 =	sor.u32 $0x1C01, s13  }
0x8: {  	s6 =	smul.u32 $0x2A0, s1;
	s1 =	rddreg [dreg:$0x3];
	_ =	strace $0x80000047  }
0x9: {  	s9 =	ssub.s32 s9, s11;
	s10 =	sadd.s32 s8, s10;
	s11 =	simm.s32 $0x1500  }
0xa: {  	s31 =	sshrl.u32 s10, $0x3;
	s10 =	simm.s32 $0x1;
	s6 =	sadd.s32 s6, s5  }
0xb: {  	s5 =	sadd.s32 s8, s2;
	s7 =	sadd.s32 s7, s31;
	s8 =	smax.u32 s9, $0x1  }
0xc: {  	v0 =	vimm.f32 $0.0e+00;
	s9 =	simm.s32 $0x1D00;
	s6 =	sadd.s32 $0x600, s6;
	s14 =	sshrl.u32 s5, $0x3  }
.LBB2_1:
0xd: {  	s15 =	simm.s32 $0x40;
	s16 =	simm.s32 $0x0  }
.LBB2_2:
0xe: {  	p0 =	sne.s32 s15, $0x9FC0;
	[tilespmem:s16+$0x1D00] =	vst v0;
	s16 =	smov.u32 s15;
	s15 =	sadd.s32 $0x40, s15  }
.Ltmp0:
0xf: {  	(pc) =	sbr.rel @p0 .LBB2_2-.Ltmp0, $2  }
0x10: {  	_ =	sdelay $0x2  }
0x11: {  	s16 =	sshra.s32 s16, $0x2  }
0x12: {  	[tilespmem:s16+$0x1D00] =	vst v0  }
0x13: {  	[spmem:s5] =	stream.linear.scatter [tilespmem:s9], [sflag:$0x1], $0x2800, $0x38;
	[tilespmem:$0x6D00] =	vst v63  }
0x14: {  	_ =	swait.ge [sflag:s10], $0x2800  }
0x15: {  	[sflag:s10] =	ssyncset.done $0x0  }
0x16: {  	s15 =	simm.s32 $0x0;
	[sflag:s10] =	ssyncadd.s32 $0xFFFFD800  }
0x17: {  	[tilespmem:s15], [sflag:$0x1] =	stream.linear.gather [hbm4b:s6+s15], $0x1500, $0x38;
	[tilespmem:$0x6D00] =	vst v63  }
0x18: {  	_ =	swait.ge [sflag:s10], $0x1500  }
0x19: {  	[sflag:s10] =	ssyncset.done $0x0  }
0x1a: {  	[sflag:s10] =	ssyncadd.s32 $0xFFFFEB00  }
0x1b: {  	[tilespmem:s11], [sflag:$0x1] =	stream.linear.gather [hbm4b:s4+s15], $0x800, $0x38;
	[tilespmem:$0x6D00] =	vst v63  }
0x1c: {  	_ =	swait.ge [sflag:s10], $0x800  }
0x1d: {  	[sflag:s10] =	ssyncset.done $0x0  }
0x1e: {  	[sflag:s10] =	ssyncadd.s32 $0xFFFFF800  }
0x1f: {  	s31 =	simm.s32 $0x0;
	[bflag:$0x0] =	sbarrier.arrive $0xFFFF  }
0x20: {  	[spmem:s2] =	stream.indirect.scatter.add.f32 [tilespmem:s11], [sflag:$0x1], $0x10, s31, s12, $0xb8;
	[tilespmem:$0x6D00] =	vst v63  }
0x21: {  	_ =	swait.ge [sflag:s10], $0x800  }
0x22: {  	s15 =	simm.s32 $0x200;
	[sflag:s10] =	ssyncset.done $0x0  }
.LBB2_4:
0x23: {  	s16 =	sshra.s32 s15, $0x2;
	[sflag:s10] =	ssyncadd.s32 $0xFFFFF800;
	p0 =	sne.s32 s15, $0x5200  }
0x24: {  	[spmem:s2] =	stream.indirect.scatter.add.f32 [tilespmem:s11], [sflag:$0x1], $0x10, s16, s12, $0xb8;
	[tilespmem:$0x6D00] =	vst v63  }
.Ltmp1:
0x25: {  	_ = 	snop;
	(pc) =	sbr.rel @p0 .LBB2_4-.Ltmp1, $4  }
0x26: {  	_ = 	snop  }
0x27: {  	s15 =	sadd.s32 $0x200, s15  }
0x28: {  	_ =	swait.ge [sflag:s10], $0x800  }
0x29: {  	[sflag:s10] =	ssyncset.done $0x0  }
0x2a: {  	s3 =	sadd.s32 $0x1, s3  }
0x2b: {  	[sflag:s10] =	ssyncadd.s32 $0xFFFFF800;
	p0 =	sne.s32 s3, s8  }
.Ltmp2:
0x2c: {  	[bflag:$0x0] =	sbarrier.arrive $0xFFFF;
	(pc) =	sbr.rel @p0 .LBB2_1-.Ltmp2, $4  }
0x2d: {  	[hbm:s7], [sflag:s13] =	dma.local [spmem:s14], $0x500  }
0x2e: {  	_ =	swait.ge [sflag:s10], $0x500  }
0x2f: {  	[sflag:s10] =	ssyncset.done $0x0  }
0x30: {  	[sflag:s10] =	ssyncadd.s32 $0xFFFFFB00  }
0x31: {  	_ =	sfence.sel $0x180000  }
0x32: {  	[bflag:$0x0] =	sbarrier.arrive $0xFFFF  }
0x33: {  	p0 =	sne.s32 s0, $0x0;
	_ =	strace $0x90000047  }
0x34: {  	s0 =	sadd.s32 @!p0 $0x100000, s1;
	[bflag:$0x2] =	sbarrier.arrive $0xFFFF  }
0x35: {  	[sflag:s0] =	ssyncadd.tile.s32 @!p0 $0x1;
	_ =	shalt  }
.Lfunc_end2:
_tile_overlayer_lowered:
.L_overlay_start_2:
0x36: {  	(tag) =	ssettag $0x2  }
0x37: {  	s0 =	rddreg [dreg:$0x0];
	s2 =	stileid.u32  }
0x38: {  	s1 =	rddreg [dreg:$0x1];
	p0 =	sne.s32 s2, $0x0  }
0x39: {  	s3 =	rddreg [dreg:$0x2];
	[bflag:$0x3] =	sbarrier.arrive $0xFFFF;
	s2 =	simm.s32 @!p0 $0x1C01  }
0x3a: {  	[timem:s3], [sflag:s2] =	dma.local @!p0 [hbm:s0], s1  }
0x3b: {  	s0 =	simm.s32 @!p0 $0x1  }
0x3c: {  	_ =	swait.ge @!p0 [sflag:s0], s1  }
0x3d: {  	s1 =	ssub.s32 @!p0 $0x0, s1;
	[sflag:s0] =	ssyncset.done @!p0 $0x0  }
0x3e: {  	[sflag:s0] =	ssyncadd.s32 @!p0 s1  }
0x3f: {  	[bflag:$0x3] =	sbarrier.arrive $0xFFFF  }
0x40: {  	_ =	shalt  }

</sc_bundles>
